<compile_context>
chip_gen: v7x
topology: tpu7x:2x2x1
jax: 0.10.2.dev20260603
libtpu: 0.0.44.dev20260713+nightly
codegen_flags: <defaults>
</compile_context>

<pallas_src>
import functools

import jax
import jax.numpy as jnp
from jax import lax
from jax.experimental import pallas as pl
from jax.experimental.pallas import tpu as pltpu
from jax.experimental.pallas import tpu_sc as plsc

NC = 2
NS = 16
NW = NC * NS
LANES = 16


@functools.lru_cache(maxsize=None)
def _build(B, L, V, D):
    BL = B * L
    SEQ_PER_W = B // NW
    CS = 4
    CHUNK_ROWS = CS * L
    NCHUNK = SEQ_PER_W // CS
    NSTREAM = 8
    SROWS = CHUNK_ROWS // NSTREAM
    DV = D // LANES

    assert B % NW == 0 and SEQ_PER_W % CS == 0
    assert CHUNK_ROWS % NSTREAM == 0 and SROWS <= 128
    assert D % LANES == 0

    mesh = plsc.VectorSubcoreMesh(core_axis_name="c", subcore_axis_name="s")

    @functools.partial(
        pl.kernel,
        out_type=jax.ShapeDtypeStruct((BL, D), jnp.float32),
        mesh=mesh,
        compiler_params=pltpu.CompilerParams(use_tc_tiling_on_sc=False),
        scratch_types=[
            pltpu.VMEM((NSTREAM, SROWS), jnp.int32),
            pltpu.VMEM((CHUNK_ROWS, D), jnp.float32),
            pltpu.VMEM((L, D), jnp.float32),
            pltpu.SemaphoreType.DMA,
        ],
    )
    def gather_add(idx_hbm, table_hbm, pos_hbm, out_hbm, idx_v, rows_v, pos_v, sem):
        wid = lax.axis_index("s") * NC + lax.axis_index("c")
        pltpu.sync_copy(pos_hbm, pos_v)
        base_row = wid * (SEQ_PER_W * L)

        def chunk_body(c, carry):
            row0 = pl.multiple_of(base_row + c * CHUNK_ROWS, 8)
            r0s = pl.multiple_of((base_row + c * CHUNK_ROWS) // SROWS, 8)
            pltpu.sync_copy(idx_hbm.at[pl.ds(r0s, NSTREAM)], idx_v)
            copies = [
                pltpu.async_copy(
                    table_hbm.at[idx_v.at[j]],
                    rows_v.at[pl.ds(j * SROWS, SROWS)],
                    sem,
                )
                for j in range(NSTREAM)
            ]
            for cp in copies:
                cp.wait()

            def add_l(l, _):
                for d in range(DV):
                    pv = pos_v[l, pl.ds(d * LANES, LANES)]
                    for s in range(CS):
                        rows_v[s * L + l, pl.ds(d * LANES, LANES)] += pv
                return _

            lax.fori_loop(0, L, add_l, 0)
            pltpu.sync_copy(rows_v, out_hbm.at[pl.ds(row0, CHUNK_ROWS)])
            return carry

        lax.fori_loop(0, NCHUNK, chunk_body, 0)

    return gather_add


def kernel(inputs, token_table, pos_table):
    B, L = inputs.shape
    V, D = token_table.shape
    BL = B * L
    SROWS = (4 * L) // 8
    idx2d = inputs.astype(jnp.int32).reshape(BL // SROWS, SROWS)
    out = _build(B, L, V, D)(idx2d, token_table, pos_table)
    return out.reshape(B, L, D)

# --- scband reference (transcript-rebuilt; emitter-appended) ---
"""Pipeline reference for scband-positional-embedding-2989297238694 (READ-ONLY COPY).

The authoritative reference and input builder live on the scoring server;
editing this copy changes nothing except your own understanding.
"""

import jax, jax.numpy as jnp
import numpy as np

VOCAB = 1000000
SEQ_LEN = 200
DIM = 32
BATCH = 4096

def setup_inputs(seed: int = 0) -> dict:
    key = jax.random.key(seed)
    k1, k2, k3 = jax.random.split(key, 3)
    inputs = jax.random.randint(k1, (BATCH, SEQ_LEN), 0, VOCAB, dtype=jnp.int64 if jax.config.jax_enable_x64 else jnp.int32)
    token_table = jax.random.normal(k2, (VOCAB, DIM), dtype=jnp.float32) * 0.02
    pos_table = jax.random.normal(k3, (SEQ_LEN, DIM), dtype=jnp.float32) * 0.02
    return {"inputs": inputs, "token_table": token_table, "pos_table": pos_table}

def reference(inputs, token_table, pos_table):
    # token embedding lookup: gather rows of the table
    embedded_tokens = jnp.take(token_table, inputs, axis=0)  # [B, L, D]
    # positional embedding: positions 0..L-1
    length = inputs.shape[-1]
    positions = jnp.arange(length)
    embedded_positions = jnp.take(pos_table, positions, axis=0)  # [L, D]
    return embedded_tokens + embedded_positions[None, :, :]

if __name__ == "__main__":
    import jax
    _d = setup_inputs()
    print(jax.jit(kernel)(*tuple(_d.values())))

</pallas_src>

<mosaic_0001>
#map = affine_map<(d0, d1) -> (0, 0)>
module attributes {stable_mosaic.version = 14 : i64} {
  func.func @gather_add(%arg0: i32, %arg1: i32, %arg2: memref<8192x100xi32, #tpu.memory_space<hbm>>, %arg3: memref<1000000x32xf32, #tpu.memory_space<hbm>>, %arg4: memref<200x32xf32, #tpu.memory_space<hbm>>, %arg5: memref<819200x32xf32, #tpu.memory_space<hbm>>, %arg6: memref<8x100xi32, #tpu.memory_space<vmem>>, %arg7: memref<800x32xf32, #tpu.memory_space<vmem>>, %arg8: memref<200x32xf32, #tpu.memory_space<vmem>>, %arg9: memref<!tpu.dma_semaphore, #tpu.memory_space<semaphore_mem>>) attributes {dimension_semantics = [#tpu.dimension_semantics<core_parallel>, #tpu.dimension_semantics<subcore_parallel>], iteration_bounds = array<i64: 2, 16>, scalar_prefetch = 0 : i64, scratch_operands = 4 : i64, tpu.core_type = #tpu.core_type<sc_vector_subcore>, window_params = [{transform_indices = #map}, {transform_indices = #map}, {transform_indices = #map}, {transform_indices = #map}]} {
    %mul3A = arith.constant 2 : i32
    %mul3A_0 = arith.muli %arg1, %mul3A : i32
    %add3A = arith.addi %mul3A_0, %arg0 : i32
    "tpu.region"() ({
      %run_scoped3A = tpu.sem_alloc : memref<!tpu.dma_semaphore, #tpu.memory_space<semaphore_mem>>
      tpu.enqueue_dma source(%arg4 : memref<200x32xf32, #tpu.memory_space<hbm>>) target(%arg8 : memref<200x32xf32, #tpu.memory_space<vmem>>) target_semaphore(%run_scoped3A : memref<!tpu.dma_semaphore, #tpu.memory_space<semaphore_mem>>)
      tpu.wait_dma2 semaphore(%run_scoped3A : memref<!tpu.dma_semaphore, #tpu.memory_space<semaphore_mem>>) src(%arg4 : memref<200x32xf32, #tpu.memory_space<hbm>>) dst(%arg8 : memref<200x32xf32, #tpu.memory_space<vmem>>)
      tpu.yield
    }) : () -> ()
    %mul3A_1 = arith.constant 25600 : i32
    %mul3A_2 = arith.muli %add3A, %mul3A_1 : i32
    %scan3A = arith.constant 0 : i32
    %scan3A_3 = arith.constant 0 : i32
    %scan3A_4 = arith.constant 32 : i32
    %scan3A_5 = arith.addi %scan3A_3, %scan3A_4 : i32
    %scan3A_6 = arith.constant 1 : i32
    scf.for %scan3A_8 = %scan3A_3 to %scan3A_5 step %scan3A_6  : i32 {
      %mul3A_9 = arith.constant 800 : i32
      %mul3A_10 = arith.muli %scan3A_8, %mul3A_9 : i32
      %add3A_11 = arith.addi %mul3A_2, %mul3A_10 : i32
      %multiple_of3A = tpu.assume_multiple %add3A_11, 8 : i32
      %mul3A_12 = arith.constant 800 : i32
      %mul3A_13 = arith.muli %scan3A_8, %mul3A_12 : i32
      %add3A_14 = arith.addi %mul3A_2, %mul3A_13 : i32
      %jit3A = arith.constant 100 : i32
      %div3A = arith.divsi %add3A_14, %jit3A : i32
      %sign3A = arith.constant 0 : i32
      %sign3A_15 = arith.cmpi sgt, %add3A_14, %sign3A : i32
      %sign3A_16 = arith.extui %sign3A_15 : i1 to i32
      %sign3A_17 = arith.constant 0 : i32
      %sign3A_18 = arith.cmpi slt, %add3A_14, %sign3A_17 : i32
      %sign3A_19 = arith.extui %sign3A_18 : i1 to i32
      %sign3A_20 = arith.subi %sign3A_16, %sign3A_19 : i32
      %sign3A_21 = arith.constant 0 : i32
      %sign3A_22 = arith.cmpi sgt, %jit3A, %sign3A_21 : i32
      %sign3A_23 = arith.extui %sign3A_22 : i1 to i32
      %sign3A_24 = arith.constant 0 : i32
      %sign3A_25 = arith.cmpi slt, %jit3A, %sign3A_24 : i32
      %sign3A_26 = arith.extui %sign3A_25 : i1 to i32
      %sign3A_27 = arith.subi %sign3A_23, %sign3A_26 : i32
      %ne3A = arith.cmpi ne, %sign3A_20, %sign3A_27 : i32
      %rem3A = arith.remsi %add3A_14, %jit3A : i32
      %ne3A_28 = arith.constant 0 : i32
      %ne3A_29 = arith.cmpi ne, %rem3A, %ne3A_28 : i32
      %and3A = arith.andi %ne3A, %ne3A_29 : i1
      %sub3A = arith.constant 1 : i32
      %sub3A_30 = arith.subi %div3A, %sub3A : i32
      %select_n3A = arith.select %and3A, %sub3A_30, %div3A : i32
      %multiple_of3A_31 = tpu.assume_multiple %select_n3A, 8 : i32
      "tpu.region"() ({
        %run_scoped3A = tpu.sem_alloc : memref<!tpu.dma_semaphore, #tpu.memory_space<semaphore_mem>>
        %dma_start3A_196 = arith.constant 0 : i32
        %dma_start3A_197 = tpu.memref_slice %arg2[%multiple_of3A_31, %dma_start3A_196] : memref<8192x100xi32, #tpu.memory_space<hbm>> -> memref<8x100xi32, #tpu.memory_space<hbm>>
        %dma_start3A_198 = arith.constant 0 : i32
        %dma_start3A_199 = tpu.memref_slice %arg2[%multiple_of3A_31, %dma_start3A_198] : memref<8192x100xi32, #tpu.memory_space<hbm>> -> memref<8x100xi32, #tpu.memory_space<hbm>>
        tpu.enqueue_dma source(%dma_start3A_199 : memref<8x100xi32, #tpu.memory_space<hbm>>) target(%arg6 : memref<8x100xi32, #tpu.memory_space<vmem>>) target_semaphore(%run_scoped3A : memref<!tpu.dma_semaphore, #tpu.memory_space<semaphore_mem>>)
        %dma_wait3A_200 = arith.constant 0 : i32
        %dma_wait3A_201 = tpu.memref_slice %arg2[%multiple_of3A_31, %dma_wait3A_200] : memref<8192x100xi32, #tpu.memory_space<hbm>> -> memref<8x100xi32, #tpu.memory_space<hbm>>
        %dma_wait3A_202 = arith.constant 0 : i32
        %dma_wait3A_203 = tpu.memref_slice %arg2[%multiple_of3A_31, %dma_wait3A_202] : memref<8192x100xi32, #tpu.memory_space<hbm>> -> memref<8x100xi32, #tpu.memory_space<hbm>>
        tpu.wait_dma2 semaphore(%run_scoped3A : memref<!tpu.dma_semaphore, #tpu.memory_space<semaphore_mem>>) src(%dma_wait3A_203 : memref<8x100xi32, #tpu.memory_space<hbm>>) dst(%arg6 : memref<8x100xi32, #tpu.memory_space<vmem>>)
        tpu.yield
      }) : () -> ()
      %dma_start3A = arith.constant 0 : i32
      %dma_start3A_32 = arith.constant 0 : i32
      %dma_start3A_33 = arith.constant 0 : i32
      %dma_start3A_34 = tpu.memref_slice %arg7[%dma_start3A_32, %dma_start3A_33] : memref<800x32xf32, #tpu.memory_space<vmem>> -> memref<100x32xf32, #tpu.memory_space<vmem>>
      %dma_start3A_35 = arith.constant 0 : i32
      %dma_start3A_36 = tpu.memref_slice %arg6[%dma_start3A, %dma_start3A_35] : memref<8x100xi32, #tpu.memory_space<vmem>> -> memref<1x100xi32, #tpu.memory_space<vmem>>
      %dma_start3A_37 = tpu.memref_squeeze %dma_start3A_36 : memref<1x100xi32, #tpu.memory_space<vmem>> -> memref<100xi32, #tpu.memory_space<vmem>>
      %dma_start3A_38 = arith.constant 0 : i32
      %dma_start3A_39 = arith.constant 0 : i32
      %dma_start3A_40 = tpu.memref_slice %arg3[%dma_start3A_38, %dma_start3A_39] : memref<1000000x32xf32, #tpu.memory_space<hbm>> -> memref<1000000x32xf32, #tpu.memory_space<hbm>>
      tpu.enqueue_indirect_dma source(%dma_start3A_40 : memref<1000000x32xf32, #tpu.memory_space<hbm>>) target(%dma_start3A_34 : memref<100x32xf32, #tpu.memory_space<vmem>>) offsets(%dma_start3A_37 : memref<100xi32, #tpu.memory_space<vmem>>) semaphore(%arg9 : memref<!tpu.dma_semaphore, #tpu.memory_space<semaphore_mem>>)
      %dma_start3A_41 = arith.constant 1 : i32
      %dma_start3A_42 = arith.constant 100 : i32
      %dma_start3A_43 = arith.constant 0 : i32
      %dma_start3A_44 = tpu.memref_slice %arg7[%dma_start3A_42, %dma_start3A_43] : memref<800x32xf32, #tpu.memory_space<vmem>> -> memref<100x32xf32, #tpu.memory_space<vmem>>
      %dma_start3A_45 = arith.constant 0 : i32
      %dma_start3A_46 = tpu.memref_slice %arg6[%dma_start3A_41, %dma_start3A_45] : memref<8x100xi32, #tpu.memory_space<vmem>> -> memref<1x100xi32, #tpu.memory_space<vmem>>
      %dma_start3A_47 = tpu.memref_squeeze %dma_start3A_46 : memref<1x100xi32, #tpu.memory_space<vmem>> -> memref<100xi32, #tpu.memory_space<vmem>>
      %dma_start3A_48 = arith.constant 0 : i32
      %dma_start3A_49 = arith.constant 0 : i32
      %dma_start3A_50 = tpu.memref_slice %arg3[%dma_start3A_48, %dma_start3A_49] : memref<1000000x32xf32, #tpu.memory_space<hbm>> -> memref<1000000x32xf32, #tpu.memory_space<hbm>>
      tpu.enqueue_indirect_dma source(%dma_start3A_50 : memref<1000000x32xf32, #tpu.memory_space<hbm>>) target(%dma_start3A_44 : memref<100x32xf32, #tpu.memory_space<vmem>>) offsets(%dma_start3A_47 : memref<100xi32, #tpu.memory_space<vmem>>) semaphore(%arg9 : memref<!tpu.dma_semaphore, #tpu.memory_space<semaphore_mem>>)
      %dma_start3A_51 = arith.constant 2 : i32
      %dma_start3A_52 = arith.constant 200 : i32
      %dma_start3A_53 = arith.constant 0 : i32
      %dma_start3A_54 = tpu.memref_slice %arg7[%dma_start3A_52, %dma_start3A_53] : memref<800x32xf32, #tpu.memory_space<vmem>> -> memref<100x32xf32, #tpu.memory_space<vmem>>
      %dma_start3A_55 = arith.constant 0 : i32
      %dma_start3A_56 = tpu.memref_slice %arg6[%dma_start3A_51, %dma_start3A_55] : memref<8x100xi32, #tpu.memory_space<vmem>> -> memref<1x100xi32, #tpu.memory_space<vmem>>
      %dma_start3A_57 = tpu.memref_squeeze %dma_start3A_56 : memref<1x100xi32, #tpu.memory_space<vmem>> -> memref<100xi32, #tpu.memory_space<vmem>>
      %dma_start3A_58 = arith.constant 0 : i32
      %dma_start3A_59 = arith.constant 0 : i32
      %dma_start3A_60 = tpu.memref_slice %arg3[%dma_start3A_58, %dma_start3A_59] : memref<1000000x32xf32, #tpu.memory_space<hbm>> -> memref<1000000x32xf32, #tpu.memory_space<hbm>>
      tpu.enqueue_indirect_dma source(%dma_start3A_60 : memref<1000000x32xf32, #tpu.memory_space<hbm>>) target(%dma_start3A_54 : memref<100x32xf32, #tpu.memory_space<vmem>>) offsets(%dma_start3A_57 : memref<100xi32, #tpu.memory_space<vmem>>) semaphore(%arg9 : memref<!tpu.dma_semaphore, #tpu.memory_space<semaphore_mem>>)
      %dma_start3A_61 = arith.constant 3 : i32
      %dma_start3A_62 = arith.constant 300 : i32
      %dma_start3A_63 = arith.constant 0 : i32
      %dma_start3A_64 = tpu.memref_slice %arg7[%dma_start3A_62, %dma_start3A_63] : memref<800x32xf32, #tpu.memory_space<vmem>> -> memref<100x32xf32, #tpu.memory_space<vmem>>
      %dma_start3A_65 = arith.constant 0 : i32
      %dma_start3A_66 = tpu.memref_slice %arg6[%dma_start3A_61, %dma_start3A_65] : memref<8x100xi32, #tpu.memory_space<vmem>> -> memref<1x100xi32, #tpu.memory_space<vmem>>
      %dma_start3A_67 = tpu.memref_squeeze %dma_start3A_66 : memref<1x100xi32, #tpu.memory_space<vmem>> -> memref<100xi32, #tpu.memory_space<vmem>>
      %dma_start3A_68 = arith.constant 0 : i32
      %dma_start3A_69 = arith.constant 0 : i32
      %dma_start3A_70 = tpu.memref_slice %arg3[%dma_start3A_68, %dma_start3A_69] : memref<1000000x32xf32, #tpu.memory_space<hbm>> -> memref<1000000x32xf32, #tpu.memory_space<hbm>>
      tpu.enqueue_indirect_dma source(%dma_start3A_70 : memref<1000000x32xf32, #tpu.memory_space<hbm>>) target(%dma_start3A_64 : memref<100x32xf32, #tpu.memory_space<vmem>>) offsets(%dma_start3A_67 : memref<100xi32, #tpu.memory_space<vmem>>) semaphore(%arg9 : memref<!tpu.dma_semaphore, #tpu.memory_space<semaphore_mem>>)
      %dma_start3A_71 = arith.constant 4 : i32
      %dma_start3A_72 = arith.constant 400 : i32
      %dma_start3A_73 = arith.constant 0 : i32
      %dma_start3A_74 = tpu.memref_slice %arg7[%dma_start3A_72, %dma_start3A_73] : memref<800x32xf32, #tpu.memory_space<vmem>> -> memref<100x32xf32, #tpu.memory_space<vmem>>
      %dma_start3A_75 = arith.constant 0 : i32
      %dma_start3A_76 = tpu.memref_slice %arg6[%dma_start3A_71, %dma_start3A_75] : memref<8x100xi32, #tpu.memory_space<vmem>> -> memref<1x100xi32, #tpu.memory_space<vmem>>
      %dma_start3A_77 = tpu.memref_squeeze %dma_start3A_76 : memref<1x100xi32, #tpu.memory_space<vmem>> -> memref<100xi32, #tpu.memory_space<vmem>>
      %dma_start3A_78 = arith.constant 0 : i32
      %dma_start3A_79 = arith.constant 0 : i32
      %dma_start3A_80 = tpu.memref_slice %arg3[%dma_start3A_78, %dma_start3A_79] : memref<1000000x32xf32, #tpu.memory_space<hbm>> -> memref<1000000x32xf32, #tpu.memory_space<hbm>>
      tpu.enqueue_indirect_dma source(%dma_start3A_80 : memref<1000000x32xf32, #tpu.memory_space<hbm>>) target(%dma_start3A_74 : memref<100x32xf32, #tpu.memory_space<vmem>>) offsets(%dma_start3A_77 : memref<100xi32, #tpu.memory_space<vmem>>) semaphore(%arg9 : memref<!tpu.dma_semaphore, #tpu.memory_space<semaphore_mem>>)
      %dma_start3A_81 = arith.constant 5 : i32
      %dma_start3A_82 = arith.constant 500 : i32
      %dma_start3A_83 = arith.constant 0 : i32
      %dma_start3A_84 = tpu.memref_slice %arg7[%dma_start3A_82, %dma_start3A_83] : memref<800x32xf32, #tpu.memory_space<vmem>> -> memref<100x32xf32, #tpu.memory_space<vmem>>
      %dma_start3A_85 = arith.constant 0 : i32
      %dma_start3A_86 = tpu.memref_slice %arg6[%dma_start3A_81, %dma_start3A_85] : memref<8x100xi32, #tpu.memory_space<vmem>> -> memref<1x100xi32, #tpu.memory_space<vmem>>
      %dma_start3A_87 = tpu.memref_squeeze %dma_start3A_86 : memref<1x100xi32, #tpu.memory_space<vmem>> -> memref<100xi32, #tpu.memory_space<vmem>>
      %dma_start3A_88 = arith.constant 0 : i32
      %dma_start3A_89 = arith.constant 0 : i32
      %dma_start3A_90 = tpu.memref_slice %arg3[%dma_start3A_88, %dma_start3A_89] : memref<1000000x32xf32, #tpu.memory_space<hbm>> -> memref<1000000x32xf32, #tpu.memory_space<hbm>>
      tpu.enqueue_indirect_dma source(%dma_start3A_90 : memref<1000000x32xf32, #tpu.memory_space<hbm>>) target(%dma_start3A_84 : memref<100x32xf32, #tpu.memory_space<vmem>>) offsets(%dma_start3A_87 : memref<100xi32, #tpu.memory_space<vmem>>) semaphore(%arg9 : memref<!tpu.dma_semaphore, #tpu.memory_space<semaphore_mem>>)
      %dma_start3A_91 = arith.constant 6 : i32
      %dma_start3A_92 = arith.constant 600 : i32
      %dma_start3A_93 = arith.constant 0 : i32
      %dma_start3A_94 = tpu.memref_slice %arg7[%dma_start3A_92, %dma_start3A_93] : memref<800x32xf32, #tpu.memory_space<vmem>> -> memref<100x32xf32, #tpu.memory_space<vmem>>
      %dma_start3A_95 = arith.constant 0 : i32
      %dma_start3A_96 = tpu.memref_slice %arg6[%dma_start3A_91, %dma_start3A_95] : memref<8x100xi32, #tpu.memory_space<vmem>> -> memref<1x100xi32, #tpu.memory_space<vmem>>
      %dma_start3A_97 = tpu.memref_squeeze %dma_start3A_96 : memref<1x100xi32, #tpu.memory_space<vmem>> -> memref<100xi32, #tpu.memory_space<vmem>>
      %dma_start3A_98 = arith.constant 0 : i32
      %dma_start3A_99 = arith.constant 0 : i32
      %dma_start3A_100 = tpu.memref_slice %arg3[%dma_start3A_98, %dma_start3A_99] : memref<1000000x32xf32, #tpu.memory_space<hbm>> -> memref<1000000x32xf32, #tpu.memory_space<hbm>>
      tpu.enqueue_indirect_dma source(%dma_start3A_100 : memref<1000000x32xf32, #tpu.memory_space<hbm>>) target(%dma_start3A_94 : memref<100x32xf32, #tpu.memory_space<vmem>>) offsets(%dma_start3A_97 : memref<100xi32, #tpu.memory_space<vmem>>) semaphore(%arg9 : memref<!tpu.dma_semaphore, #tpu.memory_space<semaphore_mem>>)
      %dma_start3A_101 = arith.constant 7 : i32
      %dma_start3A_102 = arith.constant 700 : i32
      %dma_start3A_103 = arith.constant 0 : i32
      %dma_start3A_104 = tpu.memref_slice %arg7[%dma_start3A_102, %dma_start3A_103] : memref<800x32xf32, #tpu.memory_space<vmem>> -> memref<100x32xf32, #tpu.memory_space<vmem>>
      %dma_start3A_105 = arith.constant 0 : i32
      %dma_start3A_106 = tpu.memref_slice %arg6[%dma_start3A_101, %dma_start3A_105] : memref<8x100xi32, #tpu.memory_space<vmem>> -> memref<1x100xi32, #tpu.memory_space<vmem>>
      %dma_start3A_107 = tpu.memref_squeeze %dma_start3A_106 : memref<1x100xi32, #tpu.memory_space<vmem>> -> memref<100xi32, #tpu.memory_space<vmem>>
      %dma_start3A_108 = arith.constant 0 : i32
      %dma_start3A_109 = arith.constant 0 : i32
      %dma_start3A_110 = tpu.memref_slice %arg3[%dma_start3A_108, %dma_start3A_109] : memref<1000000x32xf32, #tpu.memory_space<hbm>> -> memref<1000000x32xf32, #tpu.memory_space<hbm>>
      tpu.enqueue_indirect_dma source(%dma_start3A_110 : memref<1000000x32xf32, #tpu.memory_space<hbm>>) target(%dma_start3A_104 : memref<100x32xf32, #tpu.memory_space<vmem>>) offsets(%dma_start3A_107 : memref<100xi32, #tpu.memory_space<vmem>>) semaphore(%arg9 : memref<!tpu.dma_semaphore, #tpu.memory_space<semaphore_mem>>)
      %dma_wait3A = arith.constant 0 : i32
      %dma_wait3A_111 = arith.constant 0 : i32
      %dma_wait3A_112 = arith.constant 0 : i32
      %dma_wait3A_113 = tpu.memref_slice %arg7[%dma_wait3A_111, %dma_wait3A_112] : memref<800x32xf32, #tpu.memory_space<vmem>> -> memref<100x32xf32, #tpu.memory_space<vmem>>
      %dma_wait3A_114 = arith.constant 0 : i32
      %dma_wait3A_115 = tpu.memref_slice %arg6[%dma_wait3A, %dma_wait3A_114] : memref<8x100xi32, #tpu.memory_space<vmem>> -> memref<1x100xi32, #tpu.memory_space<vmem>>
      %dma_wait3A_116 = tpu.memref_squeeze %dma_wait3A_115 : memref<1x100xi32, #tpu.memory_space<vmem>> -> memref<100xi32, #tpu.memory_space<vmem>>
      %dma_wait3A_117 = arith.constant 0 : i32
      %dma_wait3A_118 = arith.constant 0 : i32
      %dma_wait3A_119 = tpu.memref_slice %arg3[%dma_wait3A_117, %dma_wait3A_118] : memref<1000000x32xf32, #tpu.memory_space<hbm>> -> memref<1000000x32xf32, #tpu.memory_space<hbm>>
      tpu.wait_indirect_dma semaphore(%arg9 : memref<!tpu.dma_semaphore, #tpu.memory_space<semaphore_mem>>) src(%dma_wait3A_119 : memref<1000000x32xf32, #tpu.memory_space<hbm>>) dst(%dma_wait3A_113 : memref<100x32xf32, #tpu.memory_space<vmem>>)
      %dma_wait3A_120 = arith.constant 1 : i32
      %dma_wait3A_121 = arith.constant 100 : i32
      %dma_wait3A_122 = arith.constant 0 : i32
      %dma_wait3A_123 = tpu.memref_slice %arg7[%dma_wait3A_121, %dma_wait3A_122] : memref<800x32xf32, #tpu.memory_space<vmem>> -> memref<100x32xf32, #tpu.memory_space<vmem>>
      %dma_wait3A_124 = arith.constant 0 : i32
      %dma_wait3A_125 = tpu.memref_slice %arg6[%dma_wait3A_120, %dma_wait3A_124] : memref<8x100xi32, #tpu.memory_space<vmem>> -> memref<1x100xi32, #tpu.memory_space<vmem>>
      %dma_wait3A_126 = tpu.memref_squeeze %dma_wait3A_125 : memref<1x100xi32, #tpu.memory_space<vmem>> -> memref<100xi32, #tpu.memory_space<vmem>>
      %dma_wait3A_127 = arith.constant 0 : i32
      %dma_wait3A_128 = arith.constant 0 : i32
      %dma_wait3A_129 = tpu.memref_slice %arg3[%dma_wait3A_127, %dma_wait3A_128] : memref<1000000x32xf32, #tpu.memory_space<hbm>> -> memref<1000000x32xf32, #tpu.memory_space<hbm>>
      tpu.wait_indirect_dma semaphore(%arg9 : memref<!tpu.dma_semaphore, #tpu.memory_space<semaphore_mem>>) src(%dma_wait3A_129 : memref<1000000x32xf32, #tpu.memory_space<hbm>>) dst(%dma_wait3A_123 : memref<100x32xf32, #tpu.memory_space<vmem>>)
      %dma_wait3A_130 = arith.constant 2 : i32
      %dma_wait3A_131 = arith.constant 200 : i32
      %dma_wait3A_132 = arith.constant 0 : i32
      %dma_wait3A_133 = tpu.memref_slice %arg7[%dma_wait3A_131, %dma_wait3A_132] : memref<800x32xf32, #tpu.memory_space<vmem>> -> memref<100x32xf32, #tpu.memory_space<vmem>>
      %dma_wait3A_134 = arith.constant 0 : i32
      %dma_wait3A_135 = tpu.memref_slice %arg6[%dma_wait3A_130, %dma_wait3A_134] : memref<8x100xi32, #tpu.memory_space<vmem>> -> memref<1x100xi32, #tpu.memory_space<vmem>>
      %dma_wait3A_136 = tpu.memref_squeeze %dma_wait3A_135 : memref<1x100xi32, #tpu.memory_space<vmem>> -> memref<100xi32, #tpu.memory_space<vmem>>
      %dma_wait3A_137 = arith.constant 0 : i32
      %dma_wait3A_138 = arith.constant 0 : i32
      %dma_wait3A_139 = tpu.memref_slice %arg3[%dma_wait3A_137, %dma_wait3A_138] : memref<1000000x32xf32, #tpu.memory_space<hbm>> -> memref<1000000x32xf32, #tpu.memory_space<hbm>>
      tpu.wait_indirect_dma semaphore(%arg9 : memref<!tpu.dma_semaphore, #tpu.memory_space<semaphore_mem>>) src(%dma_wait3A_139 : memref<1000000x32xf32, #tpu.memory_space<hbm>>) dst(%dma_wait3A_133 : memref<100x32xf32, #tpu.memory_space<vmem>>)
      %dma_wait3A_140 = arith.constant 3 : i32
      %dma_wait3A_141 = arith.constant 300 : i32
      %dma_wait3A_142 = arith.constant 0 : i32
      %dma_wait3A_143 = tpu.memref_slice %arg7[%dma_wait3A_141, %dma_wait3A_142] : memref<800x32xf32, #tpu.memory_space<vmem>> -> memref<100x32xf32, #tpu.memory_space<vmem>>
      %dma_wait3A_144 = arith.constant 0 : i32
      %dma_wait3A_145 = tpu.memref_slice %arg6[%dma_wait3A_140, %dma_wait3A_144] : memref<8x100xi32, #tpu.memory_space<vmem>> -> memref<1x100xi32, #tpu.memory_space<vmem>>
      %dma_wait3A_146 = tpu.memref_squeeze %dma_wait3A_145 : memref<1x100xi32, #tpu.memory_space<vmem>> -> memref<100xi32, #tpu.memory_space<vmem>>
      %dma_wait3A_147 = arith.constant 0 : i32
      %dma_wait3A_148 = arith.constant 0 : i32
      %dma_wait3A_149 = tpu.memref_slice %arg3[%dma_wait3A_147, %dma_wait3A_148] : memref<1000000x32xf32, #tpu.memory_space<hbm>> -> memref<1000000x32xf32, #tpu.memory_space<hbm>>
      tpu.wait_indirect_dma semaphore(%arg9 : memref<!tpu.dma_semaphore, #tpu.memory_space<semaphore_mem>>) src(%dma_wait3A_149 : memref<1000000x32xf32, #tpu.memory_space<hbm>>) dst(%dma_wait3A_143 : memref<100x32xf32, #tpu.memory_space<vmem>>)
      %dma_wait3A_150 = arith.constant 4 : i32
      %dma_wait3A_151 = arith.constant 400 : i32
      %dma_wait3A_152 = arith.constant 0 : i32
      %dma_wait3A_153 = tpu.memref_slice %arg7[%dma_wait3A_151, %dma_wait3A_152] : memref<800x32xf32, #tpu.memory_space<vmem>> -> memref<100x32xf32, #tpu.memory_space<vmem>>
      %dma_wait3A_154 = arith.constant 0 : i32
      %dma_wait3A_155 = tpu.memref_slice %arg6[%dma_wait3A_150, %dma_wait3A_154] : memref<8x100xi32, #tpu.memory_space<vmem>> -> memref<1x100xi32, #tpu.memory_space<vmem>>
      %dma_wait3A_156 = tpu.memref_squeeze %dma_wait3A_155 : memref<1x100xi32, #tpu.memory_space<vmem>> -> memref<100xi32, #tpu.memory_space<vmem>>
      %dma_wait3A_157 = arith.constant 0 : i32
      %dma_wait3A_158 = arith.constant 0 : i32
      %dma_wait3A_159 = tpu.memref_slice %arg3[%dma_wait3A_157, %dma_wait3A_158] : memref<1000000x32xf32, #tpu.memory_space<hbm>> -> memref<1000000x32xf32, #tpu.memory_space<hbm>>
      tpu.wait_indirect_dma semaphore(%arg9 : memref<!tpu.dma_semaphore, #tpu.memory_space<semaphore_mem>>) src(%dma_wait3A_159 : memref<1000000x32xf32, #tpu.memory_space<hbm>>) dst(%dma_wait3A_153 : memref<100x32xf32, #tpu.memory_space<vmem>>)
      %dma_wait3A_160 = arith.constant 5 : i32
      %dma_wait3A_161 = arith.constant 500 : i32
      %dma_wait3A_162 = arith.constant 0 : i32
      %dma_wait3A_163 = tpu.memref_slice %arg7[%dma_wait3A_161, %dma_wait3A_162] : memref<800x32xf32, #tpu.memory_space<vmem>> -> memref<100x32xf32, #tpu.memory_space<vmem>>
      %dma_wait3A_164 = arith.constant 0 : i32
      %dma_wait3A_165 = tpu.memref_slice %arg6[%dma_wait3A_160, %dma_wait3A_164] : memref<8x100xi32, #tpu.memory_space<vmem>> -> memref<1x100xi32, #tpu.memory_space<vmem>>
      %dma_wait3A_166 = tpu.memref_squeeze %dma_wait3A_165 : memref<1x100xi32, #tpu.memory_space<vmem>> -> memref<100xi32, #tpu.memory_space<vmem>>
      %dma_wait3A_167 = arith.constant 0 : i32
      %dma_wait3A_168 = arith.constant 0 : i32
      %dma_wait3A_169 = tpu.memref_slice %arg3[%dma_wait3A_167, %dma_wait3A_168] : memref<1000000x32xf32, #tpu.memory_space<hbm>> -> memref<1000000x32xf32, #tpu.memory_space<hbm>>
      tpu.wait_indirect_dma semaphore(%arg9 : memref<!tpu.dma_semaphore, #tpu.memory_space<semaphore_mem>>) src(%dma_wait3A_169 : memref<1000000x32xf32, #tpu.memory_space<hbm>>) dst(%dma_wait3A_163 : memref<100x32xf32, #tpu.memory_space<vmem>>)
      %dma_wait3A_170 = arith.constant 6 : i32
      %dma_wait3A_171 = arith.constant 600 : i32
      %dma_wait3A_172 = arith.constant 0 : i32
      %dma_wait3A_173 = tpu.memref_slice %arg7[%dma_wait3A_171, %dma_wait3A_172] : memref<800x32xf32, #tpu.memory_space<vmem>> -> memref<100x32xf32, #tpu.memory_space<vmem>>
      %dma_wait3A_174 = arith.constant 0 : i32
      %dma_wait3A_175 = tpu.memref_slice %arg6[%dma_wait3A_170, %dma_wait3A_174] : memref<8x100xi32, #tpu.memory_space<vmem>> -> memref<1x100xi32, #tpu.memory_space<vmem>>
      %dma_wait3A_176 = tpu.memref_squeeze %dma_wait3A_175 : memref<1x100xi32, #tpu.memory_space<vmem>> -> memref<100xi32, #tpu.memory_space<vmem>>
      %dma_wait3A_177 = arith.constant 0 : i32
      %dma_wait3A_178 = arith.constant 0 : i32
      %dma_wait3A_179 = tpu.memref_slice %arg3[%dma_wait3A_177, %dma_wait3A_178] : memref<1000000x32xf32, #tpu.memory_space<hbm>> -> memref<1000000x32xf32, #tpu.memory_space<hbm>>
      tpu.wait_indirect_dma semaphore(%arg9 : memref<!tpu.dma_semaphore, #tpu.memory_space<semaphore_mem>>) src(%dma_wait3A_179 : memref<1000000x32xf32, #tpu.memory_space<hbm>>) dst(%dma_wait3A_173 : memref<100x32xf32, #tpu.memory_space<vmem>>)
      %dma_wait3A_180 = arith.constant 7 : i32
      %dma_wait3A_181 = arith.constant 700 : i32
      %dma_wait3A_182 = arith.constant 0 : i32
      %dma_wait3A_183 = tpu.memref_slice %arg7[%dma_wait3A_181, %dma_wait3A_182] : memref<800x32xf32, #tpu.memory_space<vmem>> -> memref<100x32xf32, #tpu.memory_space<vmem>>
      %dma_wait3A_184 = arith.constant 0 : i32
      %dma_wait3A_185 = tpu.memref_slice %arg6[%dma_wait3A_180, %dma_wait3A_184] : memref<8x100xi32, #tpu.memory_space<vmem>> -> memref<1x100xi32, #tpu.memory_space<vmem>>
      %dma_wait3A_186 = tpu.memref_squeeze %dma_wait3A_185 : memref<1x100xi32, #tpu.memory_space<vmem>> -> memref<100xi32, #tpu.memory_space<vmem>>
      %dma_wait3A_187 = arith.constant 0 : i32
      %dma_wait3A_188 = arith.constant 0 : i32
      %dma_wait3A_189 = tpu.memref_slice %arg3[%dma_wait3A_187, %dma_wait3A_188] : memref<1000000x32xf32, #tpu.memory_space<hbm>> -> memref<1000000x32xf32, #tpu.memory_space<hbm>>
      tpu.wait_indirect_dma semaphore(%arg9 : memref<!tpu.dma_semaphore, #tpu.memory_space<semaphore_mem>>) src(%dma_wait3A_189 : memref<1000000x32xf32, #tpu.memory_space<hbm>>) dst(%dma_wait3A_183 : memref<100x32xf32, #tpu.memory_space<vmem>>)
      %scan3A_190 = arith.constant 0 : i32
      %scan3A_191 = arith.constant 0 : i32
      %scan3A_192 = arith.constant 200 : i32
      %scan3A_193 = arith.addi %scan3A_191, %scan3A_192 : i32
      %scan3A_194 = arith.constant 1 : i32
      scf.for %scan3A_196 = %scan3A_191 to %scan3A_193 step %scan3A_194  : i32 {
        %get3A = arith.index_cast %scan3A_196 : i32 to index
        %get3A_197 = arith.constant 0 : index
        %get3A_198 = tpu.vector_load %arg8[%get3A, %get3A_197] {strides = array<i32>} : memref<200x32xf32, #tpu.memory_space<vmem>>, vector<1x16xf32>,
        %get3A_199 = vector.shape_cast %get3A_198 : vector<1x16xf32> to vector<16xf32>
        %add3A_200 = arith.constant 0 : i32
        %add3A_201 = arith.addi %add3A_200, %scan3A_196 : i32
        %get3A_202 = arith.index_cast %add3A_201 : i32 to index
        %get3A_203 = arith.constant 0 : index
        %get3A_204 = tpu.vector_load %arg7[%get3A_202, %get3A_203] {strides = array<i32>} : memref<800x32xf32, #tpu.memory_space<vmem>>, vector<1x16xf32>,
        %get3A_205 = vector.shape_cast %get3A_204 : vector<1x16xf32> to vector<16xf32>
        %add3A_206 = arith.addf %get3A_205, %get3A_199 : vector<16xf32>
        %swap3A = arith.index_cast %add3A_201 : i32 to index
        %swap3A_207 = arith.constant 0 : index
        %swap3A_208 = tpu.vector_load %arg7[%swap3A, %swap3A_207] {strides = array<i32>} : memref<800x32xf32, #tpu.memory_space<vmem>>, vector<1x16xf32>,
        %swap3A_209 = vector.shape_cast %swap3A_208 : vector<1x16xf32> to vector<16xf32>
        %swap3A_210 = vector.shape_cast %add3A_206 : vector<16xf32> to vector<1x16xf32>
        tpu.vector_store %arg7[%swap3A, %swap3A_207], %swap3A_210 {strides = array<i32>} : memref<800x32xf32, #tpu.memory_space<vmem>>, vector<1x16xf32>,
        %add3A_211 = arith.constant 200 : i32
        %add3A_212 = arith.addi %add3A_211, %scan3A_196 : i32
        %get3A_213 = arith.index_cast %add3A_212 : i32 to index
        %get3A_214 = arith.constant 0 : index
        %get3A_215 = tpu.vector_load %arg7[%get3A_213, %get3A_214] {strides = array<i32>} : memref<800x32xf32, #tpu.memory_space<vmem>>, vector<1x16xf32>,
        %get3A_216 = vector.shape_cast %get3A_215 : vector<1x16xf32> to vector<16xf32>
        %add3A_217 = arith.addf %get3A_216, %get3A_199 : vector<16xf32>
        %swap3A_218 = arith.index_cast %add3A_212 : i32 to index
        %swap3A_219 = arith.constant 0 : index
        %swap3A_220 = tpu.vector_load %arg7[%swap3A_218, %swap3A_219] {strides = array<i32>} : memref<800x32xf32, #tpu.memory_space<vmem>>, vector<1x16xf32>,
        %swap3A_221 = vector.shape_cast %swap3A_220 : vector<1x16xf32> to vector<16xf32>
        %swap3A_222 = vector.shape_cast %add3A_217 : vector<16xf32> to vector<1x16xf32>
        tpu.vector_store %arg7[%swap3A_218, %swap3A_219], %swap3A_222 {strides = array<i32>} : memref<800x32xf32, #tpu.memory_space<vmem>>, vector<1x16xf32>,
        %add3A_223 = arith.constant 400 : i32
        %add3A_224 = arith.addi %add3A_223, %scan3A_196 : i32
        %get3A_225 = arith.index_cast %add3A_224 : i32 to index
        %get3A_226 = arith.constant 0 : index
        %get3A_227 = tpu.vector_load %arg7[%get3A_225, %get3A_226] {strides = array<i32>} : memref<800x32xf32, #tpu.memory_space<vmem>>, vector<1x16xf32>,
        %get3A_228 = vector.shape_cast %get3A_227 : vector<1x16xf32> to vector<16xf32>
        %add3A_229 = arith.addf %get3A_228, %get3A_199 : vector<16xf32>
        %swap3A_230 = arith.index_cast %add3A_224 : i32 to index
        %swap3A_231 = arith.constant 0 : index
        %swap3A_232 = tpu.vector_load %arg7[%swap3A_230, %swap3A_231] {strides = array<i32>} : memref<800x32xf32, #tpu.memory_space<vmem>>, vector<1x16xf32>,
        %swap3A_233 = vector.shape_cast %swap3A_232 : vector<1x16xf32> to vector<16xf32>
        %swap3A_234 = vector.shape_cast %add3A_229 : vector<16xf32> to vector<1x16xf32>
        tpu.vector_store %arg7[%swap3A_230, %swap3A_231], %swap3A_234 {strides = array<i32>} : memref<800x32xf32, #tpu.memory_space<vmem>>, vector<1x16xf32>,
        %add3A_235 = arith.constant 600 : i32
        %add3A_236 = arith.addi %add3A_235, %scan3A_196 : i32
        %get3A_237 = arith.index_cast %add3A_236 : i32 to index
        %get3A_238 = arith.constant 0 : index
        %get3A_239 = tpu.vector_load %arg7[%get3A_237, %get3A_238] {strides = array<i32>} : memref<800x32xf32, #tpu.memory_space<vmem>>, vector<1x16xf32>,
        %get3A_240 = vector.shape_cast %get3A_239 : vector<1x16xf32> to vector<16xf32>
        %add3A_241 = arith.addf %get3A_240, %get3A_199 : vector<16xf32>
        %swap3A_242 = arith.index_cast %add3A_236 : i32 to index
        %swap3A_243 = arith.constant 0 : index
        %swap3A_244 = tpu.vector_load %arg7[%swap3A_242, %swap3A_243] {strides = array<i32>} : memref<800x32xf32, #tpu.memory_space<vmem>>, vector<1x16xf32>,
        %swap3A_245 = vector.shape_cast %swap3A_244 : vector<1x16xf32> to vector<16xf32>
        %swap3A_246 = vector.shape_cast %add3A_241 : vector<16xf32> to vector<1x16xf32>
        tpu.vector_store %arg7[%swap3A_242, %swap3A_243], %swap3A_246 {strides = array<i32>} : memref<800x32xf32, #tpu.memory_space<vmem>>, vector<1x16xf32>,
        %get3A_247 = arith.index_cast %scan3A_196 : i32 to index
        %get3A_248 = arith.constant 16 : index
        %get3A_249 = tpu.vector_load %arg8[%get3A_247, %get3A_248] {strides = array<i32>} : memref<200x32xf32, #tpu.memory_space<vmem>>, vector<1x16xf32>,
        %get3A_250 = vector.shape_cast %get3A_249 : vector<1x16xf32> to vector<16xf32>
        %add3A_251 = arith.constant 0 : i32
        %add3A_252 = arith.addi %add3A_251, %scan3A_196 : i32
        %get3A_253 = arith.index_cast %add3A_252 : i32 to index
        %get3A_254 = arith.constant 16 : index
        %get3A_255 = tpu.vector_load %arg7[%get3A_253, %get3A_254] {strides = array<i32>} : memref<800x32xf32, #tpu.memory_space<vmem>>, vector<1x16xf32>,
        %get3A_256 = vector.shape_cast %get3A_255 : vector<1x16xf32> to vector<16xf32>
        %add3A_257 = arith.addf %get3A_256, %get3A_250 : vector<16xf32>
        %swap3A_258 = arith.index_cast %add3A_252 : i32 to index
        %swap3A_259 = arith.constant 16 : index
        %swap3A_260 = tpu.vector_load %arg7[%swap3A_258, %swap3A_259] {strides = array<i32>} : memref<800x32xf32, #tpu.memory_space<vmem>>, vector<1x16xf32>,
        %swap3A_261 = vector.shape_cast %swap3A_260 : vector<1x16xf32> to vector<16xf32>
        %swap3A_262 = vector.shape_cast %add3A_257 : vector<16xf32> to vector<1x16xf32>
        tpu.vector_store %arg7[%swap3A_258, %swap3A_259], %swap3A_262 {strides = array<i32>} : memref<800x32xf32, #tpu.memory_space<vmem>>, vector<1x16xf32>,
        %add3A_263 = arith.constant 200 : i32
        %add3A_264 = arith.addi %add3A_263, %scan3A_196 : i32
        %get3A_265 = arith.index_cast %add3A_264 : i32 to index
        %get3A_266 = arith.constant 16 : index
        %get3A_267 = tpu.vector_load %arg7[%get3A_265, %get3A_266] {strides = array<i32>} : memref<800x32xf32, #tpu.memory_space<vmem>>, vector<1x16xf32>,
        %get3A_268 = vector.shape_cast %get3A_267 : vector<1x16xf32> to vector<16xf32>
        %add3A_269 = arith.addf %get3A_268, %get3A_250 : vector<16xf32>
        %swap3A_270 = arith.index_cast %add3A_264 : i32 to index
        %swap3A_271 = arith.constant 16 : index
        %swap3A_272 = tpu.vector_load %arg7[%swap3A_270, %swap3A_271] {strides = array<i32>} : memref<800x32xf32, #tpu.memory_space<vmem>>, vector<1x16xf32>,
        %swap3A_273 = vector.shape_cast %swap3A_272 : vector<1x16xf32> to vector<16xf32>
        %swap3A_274 = vector.shape_cast %add3A_269 : vector<16xf32> to vector<1x16xf32>
        tpu.vector_store %arg7[%swap3A_270, %swap3A_271], %swap3A_274 {strides = array<i32>} : memref<800x32xf32, #tpu.memory_space<vmem>>, vector<1x16xf32>,
        %add3A_275 = arith.constant 400 : i32
        %add3A_276 = arith.addi %add3A_275, %scan3A_196 : i32
        %get3A_277 = arith.index_cast %add3A_276 : i32 to index
        %get3A_278 = arith.constant 16 : index
        %get3A_279 = tpu.vector_load %arg7[%get3A_277, %get3A_278] {strides = array<i32>} : memref<800x32xf32, #tpu.memory_space<vmem>>, vector<1x16xf32>,
        %get3A_280 = vector.shape_cast %get3A_279 : vector<1x16xf32> to vector<16xf32>
        %add3A_281 = arith.addf %get3A_280, %get3A_250 : vector<16xf32>
        %swap3A_282 = arith.index_cast %add3A_276 : i32 to index
        %swap3A_283 = arith.constant 16 : index
        %swap3A_284 = tpu.vector_load %arg7[%swap3A_282, %swap3A_283] {strides = array<i32>} : memref<800x32xf32, #tpu.memory_space<vmem>>, vector<1x16xf32>,
        %swap3A_285 = vector.shape_cast %swap3A_284 : vector<1x16xf32> to vector<16xf32>
        %swap3A_286 = vector.shape_cast %add3A_281 : vector<16xf32> to vector<1x16xf32>
        tpu.vector_store %arg7[%swap3A_282, %swap3A_283], %swap3A_286 {strides = array<i32>} : memref<800x32xf32, #tpu.memory_space<vmem>>, vector<1x16xf32>,
        %add3A_287 = arith.constant 600 : i32
        %add3A_288 = arith.addi %add3A_287, %scan3A_196 : i32
        %get3A_289 = arith.index_cast %add3A_288 : i32 to index
        %get3A_290 = arith.constant 16 : index
        %get3A_291 = tpu.vector_load %arg7[%get3A_289, %get3A_290] {strides = array<i32>} : memref<800x32xf32, #tpu.memory_space<vmem>>, vector<1x16xf32>,
        %get3A_292 = vector.shape_cast %get3A_291 : vector<1x16xf32> to vector<16xf32>
        %add3A_293 = arith.addf %get3A_292, %get3A_250 : vector<16xf32>
        %swap3A_294 = arith.index_cast %add3A_288 : i32 to index
        %swap3A_295 = arith.constant 16 : index
        %swap3A_296 = tpu.vector_load %arg7[%swap3A_294, %swap3A_295] {strides = array<i32>} : memref<800x32xf32, #tpu.memory_space<vmem>>, vector<1x16xf32>,
        %swap3A_297 = vector.shape_cast %swap3A_296 : vector<1x16xf32> to vector<16xf32>
        %swap3A_298 = vector.shape_cast %add3A_293 : vector<16xf32> to vector<1x16xf32>
        tpu.vector_store %arg7[%swap3A_294, %swap3A_295], %swap3A_298 {strides = array<i32>} : memref<800x32xf32, #tpu.memory_space<vmem>>, vector<1x16xf32>,
      }
      %scan3A_195 = arith.constant 200 : i32
      "tpu.region"() ({
        %run_scoped3A = tpu.sem_alloc : memref<!tpu.dma_semaphore, #tpu.memory_space<semaphore_mem>>
        %dma_start3A_196 = arith.constant 0 : i32
        %dma_start3A_197 = tpu.memref_slice %arg5[%multiple_of3A, %dma_start3A_196] : memref<819200x32xf32, #tpu.memory_space<hbm>> -> memref<800x32xf32, #tpu.memory_space<hbm>>
        %dma_start3A_198 = arith.constant 0 : i32
        %dma_start3A_199 = tpu.memref_slice %arg5[%multiple_of3A, %dma_start3A_198] : memref<819200x32xf32, #tpu.memory_space<hbm>> -> memref<800x32xf32, #tpu.memory_space<hbm>>
        tpu.enqueue_dma source(%arg7 : memref<800x32xf32, #tpu.memory_space<vmem>>) target(%dma_start3A_199 : memref<800x32xf32, #tpu.memory_space<hbm>>) target_semaphore(%run_scoped3A : memref<!tpu.dma_semaphore, #tpu.memory_space<semaphore_mem>>)
        %dma_wait3A_200 = arith.constant 0 : i32
        %dma_wait3A_201 = tpu.memref_slice %arg5[%multiple_of3A, %dma_wait3A_200] : memref<819200x32xf32, #tpu.memory_space<hbm>> -> memref<800x32xf32, #tpu.memory_space<hbm>>
        %dma_wait3A_202 = arith.constant 0 : i32
        %dma_wait3A_203 = tpu.memref_slice %arg5[%multiple_of3A, %dma_wait3A_202] : memref<819200x32xf32, #tpu.memory_space<hbm>> -> memref<800x32xf32, #tpu.memory_space<hbm>>
        tpu.wait_dma2 semaphore(%run_scoped3A : memref<!tpu.dma_semaphore, #tpu.memory_space<semaphore_mem>>) src(%arg7 : memref<800x32xf32, #tpu.memory_space<vmem>>) dst(%dma_wait3A_203 : memref<800x32xf32, #tpu.memory_space<hbm>>)
        tpu.yield
      }) : () -> ()
    }
    %scan3A_7 = arith.constant 32 : i32
    return
  }
}

</mosaic_0001>

<sc_bundles>
// kernel: kernel.3.cloned.1.call-start
scs
__scs_entry_jumppad:
0x0: {  	(pc) =	sbr.rel $0x88, $3  }
0x1: {  	(tag) =	ssettag $0x0;
	lr =	simm.s32 $0x1  }
0x2: {  	[smem:$0x3F9E] =	sst lr;
	_ =	strace $0xD0000000  }
0x3: {  	_ = 	snop  }
0x4: {  	_ = 	snop  }
0x5: {  	_ = 	snop  }
0x6: {  	_ = 	snop  }
0x7: {  	_ = 	snop  }
__scs_overlays_trampoline_lowered:
0x8: {  	[smem:$0x3FAD] =	sst s0  }
0x9: {  	[smem:$0x3FAE] =	sst s1  }
0xa: {  	[smem:$0x3FAF] =	sst s2  }
0xb: {  	[smem:$0x3FB0] =	sst s3  }
0xc: {  	[smem:$0x3FB1] =	sst s4  }
0xd: {  	[smem:$0x3FB2] =	sst s5  }
0xe: {  	[smem:$0x3FB3] =	sst s6  }
0xf: {  	[smem:$0x3FB4] =	sst s7  }
0x10: {  	[smem:$0x3FB5] =	sst s8  }
0x11: {  	[smem:$0x3FB6] =	sst s9;
	s0 =	simm.s32 @!p0 $0x0  }
0x12: {  	s1 =	sld [smem:$0x3F9C];
	s0 =	simm.s32 @p0 $0x1  }
0x13: {  	[smem:$0x3FB7] =	sst s0;
	s0 =	simm.s32 @!p1 $0x0  }
0x14: {  	s2 =	sld [smem:$0x3F9B];
	s0 =	simm.s32 @p1 $0x1  }
0x15: {  	[smem:$0x3FB8] =	sst s0;
	s0 =	simm.s32 @!p2 $0x0  }
0x16: {  	s3 =	sld [smem:$0x3FDB];
	s0 =	simm.s32 @p2 $0x1  }
0x17: {  	s4 =	simm.s32 $0x1BF5;
	[smem:$0x3FBA] =	sst s0  }
0x18: {  	s0 =	sld [smem:$0x3F9D];
	_ =	swait.ge [sflag:s4], $0x0  }
0x19: {  	s7 =	sld [smem:$0x3F9E]  }
0x1a: {  	s8 =	sadd.s32 $0xFFFFE003, lr  }
0x1b: {  	s9 =	sadd.s32 $0xFFFFFEF7, lr;
	s5 =	simm.s32 $0xFFFFFFFF;
	p2 =	slt.u32 s8, $0xFFFFF086  }
0x1c: {  	p1 =	slt.u32 s9, $0xF7A;
	s5 =	simm.s32 @!p2 $0x0  }
0x1d: {  	s5 =	simm.s32 @p1 $0x1;
	p0 =	seq.s32 s7, s2  }
0x1e: {  	s7 =	smul.u32 @!p0 $0xF7A, s2;
	p2 =	seq.s32 @!p0 s5, $0x0  }
0x1f: {  	s9 =	smul.u32 $0xF7A, s1;
	s8 =	simm.s32 @!p0 $0x1BF5;
	p2 =	por !p2, p0  }
0x20: {  	[sflag:s8] =	ssyncset.s32 @!p0 $0xFFFFF086;
	s6 =	sadd.s32 @!p0 s3, s7;
	s7 =	simm.s32 @!p0 $0x108  }
0x21: {  	s3 =	sadd.s32 s3, s9;
	s6 =	sadd.s32 @!p0 $0x88, s6;
	s7 =	simm.s32 @p2 $0x1082  }
0x22: {  	[simem:s7], [sflag:s8] =	dma.local @!p0 [hbm:s6], $0xF7A  }
0x23: {  	s9 =	sor.u32 $0xD0000000, s2;
	s6 =	simm.s32 $0x108;
	_ =	swait.ge @!p0 [sflag:s8], $0x0  }
0x24: {  	s3 =	sadd.s32 $0x88, s3;
	s6 =	simm.s32 @!p1 $0x1082;
	[sflag:s4] =	ssyncset.s32 $0xFFFFF086  }
0x25: {  	[simem:s6], [sflag:s4] =	dma.local [hbm:s3], $0xF7A  }
0x26: {  	[smem:$0x3F9E] =	sst s1;
	(tag) =	ssettag s2;
	_ =	strace s9  }
0x27: {  	s1 =	sld [smem:$0x3FAE]  }
0x28: {  	s2 =	sld [smem:$0x3FAF]  }
0x29: {  	s4 =	sld [smem:$0x3FB1]  }
0x2a: {  	p0 =	seq.s32 s5, $0x0;
	s5 =	sld [smem:$0x3FB2]  }
0x2b: {  	s6 =	sld [smem:$0x3FB3]  }
0x2c: {  	s7 =	sld [smem:$0x3FB4]  }
0x2d: {  	s3 =	simm.s32 $0x108;
	s8 =	sld [smem:$0x3FB5]  }
0x2e: {  	s3 =	simm.s32 @!p0 $0x1082;
	s9 =	sld [smem:$0x3FB6]  }
0x2f: {  	lr =	sadd.s32 s0, s3;
	s0 =	sld [smem:$0x3FAD]  }
0x30: {  	s3 =	sld [smem:$0x3FB0]  }
0x31: {  	[smem:$0x3FB9] =	sst s10  }
0x32: {  	s10 =	sld [smem:$0x3FB7];
	_ =	sdelay $0x3  }
0x33: {  	p0 =	seq.s32 s10, $0x1;
	s10 =	sld [smem:$0x3FB9];
	_ =	sdelay $0x3  }
0x34: {  	[smem:$0x3FB9] =	sst s10  }
0x35: {  	s10 =	sld [smem:$0x3FB8];
	_ =	sdelay $0x3  }
0x36: {  	p1 =	seq.s32 s10, $0x1;
	s10 =	sld [smem:$0x3FB9];
	_ =	sdelay $0x3  }
0x37: {  	[smem:$0x3FB9] =	sst s10  }
0x38: {  	s10 =	sld [smem:$0x3FBA]  }
0x39: {  	_ = 	snop;
	(pc) =	sbr.ind lr, $3  }
0x3a: {  	_ = 	snop  }
0x3b: {  	_ = 	snop  }
0x3c: {  	p2 =	seq.s32 s10, $0x1;
	s10 =	sld [smem:$0x3FB9]  }
0x3d: {  	_ =	shalt  }
0x3e: {  	_ =	shalt  }
0x3f: {  	_ =	shalt  }
0x40: {  	_ =	shalt  }
0x41: {  	_ =	shalt  }
0x42: {  	_ =	shalt  }
0x43: {  	_ =	shalt  }
0x44: {  	_ =	shalt  }
0x45: {  	_ =	shalt  }
0x46: {  	_ =	shalt  }
0x47: {  	_ =	shalt  }
0x48: {  	_ =	shalt  }
0x49: {  	_ =	shalt  }
0x4a: {  	_ =	shalt  }
0x4b: {  	_ =	shalt  }
0x4c: {  	_ =	shalt  }
0x4d: {  	_ =	shalt  }
0x4e: {  	_ =	shalt  }
0x4f: {  	_ =	shalt  }
0x50: {  	_ =	shalt  }
0x51: {  	_ =	shalt  }
0x52: {  	_ =	shalt  }
0x53: {  	_ =	shalt  }
0x54: {  	_ =	shalt  }
0x55: {  	_ =	shalt  }
0x56: {  	_ =	shalt  }
0x57: {  	_ =	shalt  }
0x58: {  	_ =	shalt  }
0x59: {  	_ =	shalt  }
0x5a: {  	_ =	shalt  }
0x5b: {  	_ =	shalt  }
0x5c: {  	_ =	shalt  }
0x5d: {  	_ =	shalt  }
0x5e: {  	_ =	shalt  }
0x5f: {  	_ =	shalt  }
0x60: {  	_ =	shalt  }
0x61: {  	_ =	shalt  }
0x62: {  	_ =	shalt  }
0x63: {  	_ =	shalt  }
0x64: {  	_ =	shalt  }
0x65: {  	_ =	shalt  }
0x66: {  	_ =	shalt  }
0x67: {  	_ =	shalt  }
0x68: {  	_ =	shalt  }
0x69: {  	_ =	shalt  }
0x6a: {  	_ =	shalt  }
0x6b: {  	_ =	shalt  }
0x6c: {  	_ =	shalt  }
0x6d: {  	_ =	shalt  }
0x6e: {  	_ =	shalt  }
0x6f: {  	_ =	shalt  }
0x70: {  	_ =	shalt  }
0x71: {  	_ =	shalt  }
0x72: {  	_ =	shalt  }
0x73: {  	_ =	shalt  }
0x74: {  	_ =	shalt  }
0x75: {  	_ =	shalt  }
0x76: {  	_ =	shalt  }
0x77: {  	_ =	shalt  }
0x78: {  	_ =	shalt  }
0x79: {  	_ =	shalt  }
0x7a: {  	_ =	shalt  }
0x7b: {  	_ =	shalt  }
0x7c: {  	_ =	shalt  }
0x7d: {  	_ =	shalt  }
0x7e: {  	_ =	shalt  }
0x7f: {  	_ =	shalt  }
0x80: {  	_ =	shalt  }
0x81: {  	_ =	shalt  }
0x82: {  	_ =	shalt  }
0x83: {  	_ =	shalt  }
0x84: {  	_ =	shalt  }
0x85: {  	_ =	shalt  }
0x86: {  	_ =	shalt  }
0x87: {  	_ =	shalt  }
.Lfunc_end0:
.L_simem_size_0:
called_computation.1_lowered:
.L_overlay_start_0:
0x88: {  	s2 =	sld [smem:$0x3FD9]  }
0x89: {  	s3 =	sld [smem:$0x3FFE];
	_ =	sdelay $0x1  }
0x8a: {  	s1 =	srdreg.scid  }
0x8b: {  	s0 =	sand.u32 $0x1, s1  }
0x8c: {  	s17 =	sshll.u32 s0, $0xA;
	s2 =	sadd.s32 s3, s2  }
0x8d: {  	s2 =	sadd.s32 s2, s17  }
0x8e: {  	[smem:$0x3FC5] =	sst s2  }
0x8f: {  	_ = 	snop  }
0x90: {  	s2 =	sld [smem:$0x3FD0];
	(tm) =	ssettm $0x1  }
0x91: {  	s18 =	sld [smem:$0x3FFB];
	_ =	sdelay $0x3  }
0x92: {  	_ =	strace s18  }
0x93: {  	s3 =	sld [smem:$0x3FFC];
	_ =	sdelay $0x3  }
0x94: {  	_ =	strace s3  }
0x95: {  	s3 =	sld [smem:$0x3FFD];
	_ =	sdelay $0x3  }
0x96: {  	_ =	strace s3  }
0x97: {  	_ =	strace $0x8FFFFFFF  }
0x98: {  	s19 =	sld [smem:$0x3FDB];
	_ =	sdelay $0x1  }
0x99: {  	s4 =	simm.s32 $_scs_section_size  }
0x9a: {  	s5 =	simm.s32 $_size__tile_overlayer_lowered;
	s6 =	simm.s32 $_tile_overlayer_lowered  }
0x9b: {  	s22 =	simm.s32 $0x1BFF;
	s21 =	sshll.u32 s6, $0x1;
	s3 =	sadd.s32 s4, s19  }
0x9c: {  	s7 =	simm.s32 $0x0;
	s20 =	sshll.u32 s5, $0x1;
	s5 =	sadd.s32 s21, s3  }
0x9d: {  	[timem:s7], [sflag:s22] =	dma.local [hbm:s5], s20  }
0x9e: {  	_ =	swait.ge [sflag:s22], s20  }
0x9f: {  	s4 =	ssub.s32 $0x0, s20;
	[sflag:s22] =	ssyncset.done $0x0  }
0xa0: {  	[sflag:s22] =	ssyncadd.s32 s4;
	_ =	sdelay $0x1  }
0xa1: {  	s23 =	simm.s32 $0x1B8B  }
0xa2: {  	_ =	swait.ge [sflag:s23], $0x1  }
0xa3: {  	[sflag:s23] =	ssyncset.done $0x0  }
0xa4: {  	s25 =	simm.s32 $0x1B8E;
	s24 =	sld [smem:$0x3FFE];
	[sflag:s23] =	ssyncadd.s32 $0xFFFFFFFF  }
0xa5: {  	s26 =	simm.s32 $execute0_lowered;
	[smem:$0x3FD2] =	sst s25  }
0xa6: {  	s5 =	sshll.u32 s26, $0x1;
	_ =	strace $0x80000046;
	[dreg:$0x1] =	wrdreg $0xFFFFFFFF  }
0xa7: {  	s28 =	simm.s32 $_size_execute0_lowered;
	s3 =	sadd.s32 s3, s5;
	[dreg:$0x0] =	wrdreg $0x0  }
0xa8: {  	s5 =	sshll.u32 s28, $0x1;
	[dreg:$0x2] =	wrdreg s3  }
0xa9: {  	[dreg:$0x3] =	wrdreg s5  }
0xaa: {  	[dreg:$0x4] =	wrdreg $0xC0  }
0xab: {  	_ =	task [dreg:s7], $0x5FFFF  }
0xac: {  	[dreg:$0x1] =	wrdreg $0xFFFFFFFF  }
0xad: {  	[dreg:$0x0] =	wrdreg $0x60  }
0xae: {  	[dreg:$0x2] =	wrdreg s24  }
0xaf: {  	[dreg:$0x3] =	wrdreg s2  }
0xb0: {  	[dreg:$0x4] =	wrdreg $0x9  }
0xb1: {  	_ =	task.clear_ibuf [dreg:s7], $0x5FFFF;
	_ =	strace $0x90000046  }
0xb2: {  	s29 =	simm.s32 $0x9;
	_ =	strace $0x80000048  }
0xb3: {  	_ =	swait.ge [sflag:s29], $0x1  }
0xb4: {  	[sflag:s29] =	ssyncadd.s32 $0xFFFFFFFF  }
0xb5: {  	_ =	strace $0x90000048  }
0xb6: {  	_ =	sfence  }
0xb7: {  	s30 =	sld [smem:$0x0];
	_ =	sdelay $0x2  }
0xb8: {  	s31 =	sshll.u32 s1, $0xD;
	s1 =	sshrl.u32 s1, $0x2  }
0xb9: {  	s3 =	sand.u32 $0x4000, s31;
	s1 =	sadd.s32 s1, s30  }
0xba: {  	s0 =	sor.u32 s3, s0;
	s1 =	sshll.u32 s1, $0x11  }
0xbb: {  	s0 =	sor.u32 s1, s0  }
0xbc: {  	s0 =	sadd.s32 $0x8F2B, s0  }
0xbd: {  	[sflag:s0] =	ssyncadd.remote.s32 $0x1  }
0xbe: {  	_ =	sfence.sel $0xFFFF  }
0xbf: {  	[dreg:$0x0] =	wrdreg $0xFFFFFFFF;
	(pc) =	sbr.abs _section_cstart, $3  }
0xc0: {  	[dreg:$0x1] =	wrdreg $0xFFFFFFFF  }
0xc1: {  	_ =	task.clear_ibuf [dreg:s7], $0x2FFFF;
	_ =	strace $0x9FFFFFFF  }
0xc2: {  	(tm) =	ssettm $0x7FFFFFFF  }
0xc3: {  	_ =	shalt  }
tec
execute0_lowered:
.L_overlay_start_1:
0x0: {  	(tag) =	ssettag $0x1  }
0x1: {  	s0 =	rddreg [dreg:$0x0]  }
0x2: {  	s1 =	rddreg [dreg:$0x1];
	s3 =	simm.s32 $0x0;
	s2 =	srdreg.scid  }
0x3: {  	s5 =	stileid.u32;
	s10 =	simm.s32 $0x2;
	s11 =	simm.s32 $0x64  }
0x4: {  	s12 =	simm.s32 $0x340;
	s13 =	simm.s32 $0x68;
	s14 =	simm.s32 $0xFC0  }
0x5: {  	s15 =	simm.s32 $0xD0;
	s16 =	simm.s32 $0x1C40;
	s17 =	simm.s32 $0x138  }
0x6: {  	s18 =	simm.s32 $0x28C0;
	s19 =	simm.s32 $0x1A0;
	s20 =	simm.s32 $0x3540  }
0x7: {  	s21 =	simm.s32 $0x208;
	s22 =	simm.s32 $0x41C0;
	s23 =	simm.s32 $0x270  }
0x8: {  	s24 =	simm.s32 $0x4E40;
	s25 =	simm.s32 $0x2D8;
	s26 =	simm.s32 $0x5AC0  }
0x9: {  	s28 =	simm.s32 $0x1;
	s29 =	simm.s32 $0x0;
	s2 =	sand.u32 $0x1, s2  }
0xa: {  	[smem:$0x7FF] =	sst s3;
	s4 =	sadd.s32 $0xC00, s0;
	s7 =	ssub.s32 $0x2, s2  }
0xb: {  	s6 =	sshll.u32 s5, $0x1;
	s5 =	sadd.s32 $0xF43000, s0;
	s8 =	sshrl.u32 s7, $0x1  }
0xc: {  	_ =	strace $0x80000047;
	s2 =	sor.u32 s2, s6;
	s31 =	ssub.s32 s7, s8  }
0xd: {  	s6 =	sadd.s32 $0x1AC00, s0;
	s7 =	smul.u32 $0x6400, s2;
	s8 =	smax.u32 s31, $0x1  }
.LBB2_1:
0xe: {  	s0 =	simm.s32 $0x6740  }
0xf: {  	[tilespmem:s0], [sflag:$0x2] =	stream.linear.gather [hbm4b:s6+s3], $0x1900, $0x38;
	[tilespmem:$0x8040] =	vst v63  }
0x10: {  	_ =	swait.ge [sflag:s10], $0x1900  }
0x11: {  	[sflag:s10] =	ssyncset.done $0x0  }
0x12: {  	s30 =	simm.s32 $0x0;
	[sflag:s10] =	ssyncadd.s32 $0xFFFFE700  }
.LBB2_2:
0x13: {  	s0 =	smul.u32 $0x320, s30;
	_ =	sdelay $0x1  }
0x14: {  	s31 =	sadd.s32 s7, s0  }
0x15: {  	s0 =	smulhi.u32 $0x51EB851F, s31;
	_ =	sdelay $0x1  }
0x16: {  	s0 =	sshrl.u32 s0, $0x5  }
0x17: {  	s0 =	smul.u32 $0xD, s0;
	_ =	sdelay $0x1  }
0x18: {  	s2 =	simm.s32 $0x0;
	s0 =	sadd.s32 s4, s0  }
0x19: {  	[tilespmem:s2], [sflag:$0x2] =	stream.linear.gather [hbm4b:s0+s2], $0x340, $0x38;
	[tilespmem:$0x8040] =	vst v63  }
0x1a: {  	_ =	swait.ge [sflag:s10], $0x340  }
0x1b: {  	[sflag:s10] =	ssyncset.done $0x0  }
0x1c: {  	[sflag:s10] =	ssyncadd.s32 $0xFFFFFCC0  }
0x1d: {  	[tilespmem:s12], [sflag:$0x1] =	stream.indirect.gather [hbm4b:s5+s11], $0x20, s2, s11, $0xb8;
	[tilespmem:$0x8040] =	vst v63  }
0x1e: {  	_ = 	snop  }
0x1f: {  	[tilespmem:s14], [sflag:$0x1] =	stream.indirect.gather [hbm4b:s5+s11], $0x20, s13, s11, $0xb8;
	[tilespmem:$0x8040] =	vst v63  }
0x20: {  	_ = 	snop  }
0x21: {  	[tilespmem:s16], [sflag:$0x1] =	stream.indirect.gather [hbm4b:s5+s11], $0x20, s15, s11, $0xb8;
	[tilespmem:$0x8040] =	vst v63  }
0x22: {  	_ = 	snop  }
0x23: {  	[tilespmem:s18], [sflag:$0x1] =	stream.indirect.gather [hbm4b:s5+s11], $0x20, s17, s11, $0xb8;
	[tilespmem:$0x8040] =	vst v63  }
0x24: {  	_ = 	snop  }
0x25: {  	[tilespmem:s20], [sflag:$0x1] =	stream.indirect.gather [hbm4b:s5+s11], $0x20, s19, s11, $0xb8;
	[tilespmem:$0x8040] =	vst v63  }
0x26: {  	_ = 	snop  }
0x27: {  	[tilespmem:s22], [sflag:$0x1] =	stream.indirect.gather [hbm4b:s5+s11], $0x20, s21, s11, $0xb8;
	[tilespmem:$0x8040] =	vst v63  }
0x28: {  	_ = 	snop  }
0x29: {  	[tilespmem:s24], [sflag:$0x1] =	stream.indirect.gather [hbm4b:s5+s11], $0x20, s23, s11, $0xb8;
	[tilespmem:$0x8040] =	vst v63  }
0x2a: {  	_ = 	snop  }
0x2b: {  	[tilespmem:s26], [sflag:$0x1] =	stream.indirect.gather [hbm4b:s5+s11], $0x20, s25, s11, $0xb8;
	[tilespmem:$0x8040] =	vst v63  }
0x2c: {  	_ =	swait.ge [sflag:s28], $0xC80  }
0x2d: {  	[sflag:s28] =	ssyncset.done $0x0  }
0x2e: {  	[sflag:s28] =	ssyncadd.s32 $0xFFFFF380  }
0x2f: {  	_ =	swait.ge [sflag:s28], $0xC80  }
0x30: {  	[sflag:s28] =	ssyncset.done $0x0  }
0x31: {  	[sflag:s28] =	ssyncadd.s32 $0xFFFFF380  }
0x32: {  	_ =	swait.ge [sflag:s28], $0xC80  }
0x33: {  	[sflag:s28] =	ssyncset.done $0x0  }
0x34: {  	[sflag:s28] =	ssyncadd.s32 $0xFFFFF380  }
0x35: {  	_ =	swait.ge [sflag:s28], $0xC80  }
0x36: {  	[sflag:s28] =	ssyncset.done $0x0  }
0x37: {  	[sflag:s28] =	ssyncadd.s32 $0xFFFFF380  }
0x38: {  	_ =	swait.ge [sflag:s28], $0xC80  }
0x39: {  	[sflag:s28] =	ssyncset.done $0x0  }
0x3a: {  	[sflag:s28] =	ssyncadd.s32 $0xFFFFF380  }
0x3b: {  	_ =	swait.ge [sflag:s28], $0xC80  }
0x3c: {  	[sflag:s28] =	ssyncset.done $0x0  }
0x3d: {  	[sflag:s28] =	ssyncadd.s32 $0xFFFFF380  }
0x3e: {  	_ =	swait.ge [sflag:s28], $0xC80  }
0x3f: {  	[sflag:s28] =	ssyncset.done $0x0  }
0x40: {  	[sflag:s28] =	ssyncadd.s32 $0xFFFFF380  }
0x41: {  	_ =	swait.ge [sflag:s28], $0xC80  }
0x42: {  	[sflag:s28] =	ssyncset.done $0x0  }
0x43: {  	s0 =	simm.s32 $0x0;
	[sflag:s28] =	ssyncadd.s32 $0xFFFFF380  }
0x44: {  	v1 =	vld [tilespmem:s0+$0x6740]  }
0x45: {  	v0 =	vld [tilespmem:s0+$0x6750]  }
0x46: {  	v4 =	vld [tilespmem:s0+$0x340]  }
0x47: {  	v7 =	vld [tilespmem:s0+$0x1C40]  }
0x48: {  	v6 =	vld [tilespmem:s0+$0x3540]  }
0x49: {  	v5 =	vld [tilespmem:s0+$0x4E40]  }
0x4a: {  	v2 =	vld [tilespmem:s0+$0x350]  }
0x4b: {  	v3 =	vld [tilespmem:s0+$0x1C50];
	v8 =	vadd.f32 v4, v1  }
0x4c: {  	s2 =	simm.s32 $0x80;
	v7 =	vadd.f32 v7, v1;
	v4 =	vld [tilespmem:s0+$0x3550]  }
.LBB2_3:
0x4d: {  	s9 =	sshra.s32 s2, $0x2;
	p0 =	sne.s32 s2, $0x6380;
	[tilespmem:s0+$0x340] =	vst v8;
	v6 =	vadd.f32 v6, v1;
	v8 =	vld [tilespmem:s0+$0x4E50]  }
0x4e: {  	[tilespmem:s0+$0x1C40] =	vst v7;
	v5 =	vadd.f32 v5, v1;
	v1 =	vld [tilespmem:s9+$0x6740]  }
0x4f: {  	v7 =	vld [tilespmem:s9+$0x6750];
	[tilespmem:s0+$0x3540] =	vst v6;
	v2 =	vadd.f32 v2, v0  }
0x50: {  	v9 =	vld [tilespmem:s9+$0x340];
	[tilespmem:s0+$0x4E40] =	vst v5;
	v3 =	vadd.f32 v3, v0  }
0x51: {  	v10 =	vld [tilespmem:s9+$0x1C40];
	[tilespmem:s0+$0x350] =	vst v2;
	v2 =	vadd.f32 v4, v0  }
.Ltmp0:
0x52: {  	v6 =	vld [tilespmem:s9+$0x3540];
	[tilespmem:s0+$0x1C50] =	vst v3;
	v3 =	vadd.f32 v8, v0;
	(pc) =	sbr.rel @p0 .LBB2_3-.Ltmp0, $4  }
0x53: {  	v5 =	vld [tilespmem:s9+$0x4E40];
	[tilespmem:s0+$0x3550] =	vst v2  }
0x54: {  	v2 =	vld [tilespmem:s9+$0x350];
	[tilespmem:s0+$0x4E50] =	vst v3;
	v0 =	vmov v7;
	s0 =	smov.u32 s9  }
0x55: {  	v8 =	vadd.f32 v9, v1;
	v3 =	vld [tilespmem:s0+$0x1C50]  }
0x56: {  	s2 =	sadd.s32 $0x80, s2;
	v7 =	vadd.f32 v10, v1;
	v4 =	vld [tilespmem:s0+$0x3550]  }
0x57: {  	[tilespmem:s0+$0x340] =	vst v8;
	v6 =	vadd.f32 v6, v1;
	v59 =	vld [tilespmem:s0+$0x4E50]  }
0x58: {  	[tilespmem:s0+$0x1C40] =	vst v7;
	v60 =	vadd.f32 v5, v1  }
0x59: {  	[tilespmem:s0+$0x3540] =	vst v6;
	v2 =	vadd.f32 v2, v0  }
0x5a: {  	[tilespmem:s0+$0x4E40] =	vst v60;
	v61 =	vadd.f32 v3, v0  }
0x5b: {  	[tilespmem:s0+$0x350] =	vst v2;
	v62 =	vadd.f32 v4, v0  }
0x5c: {  	s30 =	sadd.s32 $0x1, s30;
	[tilespmem:s0+$0x1C50] =	vst v61;
	v63 =	vadd.f32 v59, v0  }
0x5d: {  	s2 =	sshll.u32 s31, $0x2;
	p0 =	sne.s32 s30, $0x20;
	[tilespmem:s0+$0x3550] =	vst v62  }
.Ltmp1:
0x5e: {  	s31 =	sadd.s32 s1, s2;
	[tilespmem:s0+$0x4E50] =	vst v63;
	(pc) =	sbr.rel @p0 .LBB2_2-.Ltmp1, $4  }
0x5f: {  	[hbm4b:s31+s3] =	stream.linear.scatter [tilespmem:s12], [sflag:$0x2], $0x6400, $0x38;
	[tilespmem:$0x8040] =	vst v63  }
0x60: {  	_ =	swait.ge [sflag:s10], $0x6400  }
0x61: {  	[sflag:s10] =	ssyncset.done $0x0  }
0x62: {  	[sflag:s10] =	ssyncadd.s32 $0xFFFF9C00  }
0x63: {  	s29 =	sadd.s32 $0x1, s29  }
0x64: {  	p0 =	sne.s32 s29, s8  }
.Ltmp2:
0x65: {  	_ = 	snop;
	(pc) =	sbr.rel @p0 .LBB2_1-.Ltmp2, $1  }
0x66: {  	_ =	sdelay $0x3  }
0x67: {  	_ =	sfence.sel $0x180000  }
0x68: {  	[bflag:$0x0] =	sbarrier.arrive $0xFFFF  }
0x69: {  	_ =	strace $0x90000047  }
0x6a: {  	s0 =	stileid.u32;
	[bflag:$0x2] =	sbarrier.arrive $0xFFFF  }
0x6b: {  	p0 =	sne.s32 s0, $0x0;
	s0 =	rddreg [dreg:$0x2]  }
0x6c: {  	s0 =	sadd.s32 @!p0 $0x100000, s0  }
0x6d: {  	[sflag:s0] =	ssyncadd.tile.s32 @!p0 $0x1;
	_ =	shalt  }
.Lfunc_end2:
_tile_overlayer_lowered:
.L_overlay_start_2:
0x6e: {  	(tag) =	ssettag $0x2  }
0x6f: {  	s0 =	rddreg [dreg:$0x0];
	s2 =	stileid.u32  }
0x70: {  	s1 =	rddreg [dreg:$0x1];
	p0 =	sne.s32 s2, $0x0  }
0x71: {  	s3 =	rddreg [dreg:$0x2];
	[bflag:$0x3] =	sbarrier.arrive $0xFFFF;
	s2 =	simm.s32 @!p0 $0x1C02  }
0x72: {  	[timem:s3], [sflag:s2] =	dma.local @!p0 [hbm:s0], s1  }
0x73: {  	s0 =	simm.s32 @!p0 $0x2  }
0x74: {  	_ =	swait.ge @!p0 [sflag:s0], s1  }
0x75: {  	s1 =	ssub.s32 @!p0 $0x0, s1;
	[sflag:s0] =	ssyncset.done @!p0 $0x0  }
0x76: {  	[sflag:s0] =	ssyncadd.s32 @!p0 s1  }
0x77: {  	[bflag:$0x3] =	sbarrier.arrive $0xFFFF  }
0x78: {  	_ =	shalt  }

// kernel: sparse-core-data-format-call.cloned.1.call-start
scs
called_computation_lowered:
.L_overlay_start_0:
0x0: {  	s2 =	sld [smem:$0x3FD9]  }
0x1: {  	s3 =	sld [smem:$0x3FFE];
	_ =	sdelay $0x1  }
0x2: {  	s1 =	srdreg.scid  }
0x3: {  	s0 =	sand.u32 $0x1, s1  }
0x4: {  	s18 =	sshll.u32 s0, $0xA;
	s2 =	sadd.s32 s3, s2  }
0x5: {  	s2 =	sadd.s32 s2, s18  }
0x6: {  	[smem:$0x3FC5] =	sst s2  }
0x7: {  	_ = 	snop  }
0x8: {  	s2 =	sld [smem:$0x3FD0];
	(tm) =	ssettm $0x1  }
0x9: {  	s19 =	sld [smem:$0x3FFB];
	_ =	sdelay $0x3  }
0xa: {  	_ =	strace s19  }
0xb: {  	s3 =	sld [smem:$0x3FFC];
	_ =	sdelay $0x3  }
0xc: {  	_ =	strace s3  }
0xd: {  	s3 =	sld [smem:$0x3FFD];
	_ =	sdelay $0x3  }
0xe: {  	_ =	strace s3  }
0xf: {  	_ =	strace $0x8FFFFFFF  }
0x10: {  	s20 =	sld [smem:$0x3FDB];
	_ =	sdelay $0x1  }
0x11: {  	s4 =	simm.s32 $_scs_section_size  }
0x12: {  	s5 =	simm.s32 $_size__tile_overlayer_lowered;
	s6 =	simm.s32 $_tile_overlayer_lowered  }
0x13: {  	s23 =	simm.s32 $0x1BFF;
	s22 =	sshll.u32 s6, $0x1;
	s3 =	sadd.s32 s4, s20  }
0x14: {  	s7 =	simm.s32 $0x0;
	s21 =	sshll.u32 s5, $0x1;
	s5 =	sadd.s32 s22, s3  }
0x15: {  	[timem:s7], [sflag:s23] =	dma.local [hbm:s5], s21  }
0x16: {  	_ =	swait.ge [sflag:s23], s21  }
0x17: {  	s4 =	ssub.s32 $0x0, s21;
	[sflag:s23] =	ssyncset.done $0x0  }
0x18: {  	[sflag:s23] =	ssyncadd.s32 s4;
	_ =	sdelay $0x1  }
0x19: {  	s24 =	simm.s32 $0x1B8B  }
0x1a: {  	_ =	swait.ge [sflag:s24], $0x1  }
0x1b: {  	[sflag:s24] =	ssyncset.done $0x0  }
0x1c: {  	s26 =	simm.s32 $0x1B8E;
	s25 =	sld [smem:$0x3FFE];
	[sflag:s24] =	ssyncadd.s32 $0xFFFFFFFF  }
0x1d: {  	s27 =	simm.s32 $execute0_lowered;
	[smem:$0x3FD2] =	sst s26  }
0x1e: {  	s5 =	sshll.u32 s27, $0x1;
	_ =	strace $0x80000049;
	[dreg:$0x1] =	wrdreg $0xFFFFFFFF  }
0x1f: {  	s28 =	simm.s32 $_size_execute0_lowered;
	s3 =	sadd.s32 s3, s5;
	[dreg:$0x0] =	wrdreg $0x0  }
0x20: {  	s5 =	sshll.u32 s28, $0x1;
	[dreg:$0x2] =	wrdreg s3  }
0x21: {  	[dreg:$0x3] =	wrdreg s5  }
0x22: {  	[dreg:$0x4] =	wrdreg $0xC0  }
0x23: {  	_ =	task [dreg:s7], $0x5FFFF  }
0x24: {  	[dreg:$0x1] =	wrdreg $0xFFFFFFFF  }
0x25: {  	[dreg:$0x0] =	wrdreg $0x60  }
0x26: {  	[dreg:$0x2] =	wrdreg s25  }
0x27: {  	[dreg:$0x3] =	wrdreg s2  }
0x28: {  	[dreg:$0x4] =	wrdreg $0x9  }
0x29: {  	_ =	task.clear_ibuf [dreg:s7], $0x5FFFF;
	_ =	strace $0x90000049  }
0x2a: {  	s29 =	simm.s32 $0x9;
	_ =	strace $0x8000004B  }
0x2b: {  	_ =	swait.ge [sflag:s29], $0x1  }
0x2c: {  	[sflag:s29] =	ssyncadd.s32 $0xFFFFFFFF  }
0x2d: {  	_ =	strace $0x9000004B  }
0x2e: {  	_ =	sfence  }
0x2f: {  	s30 =	sld [smem:$0x0];
	_ =	sdelay $0x2  }
0x30: {  	s31 =	sshll.u32 s1, $0xD;
	s1 =	sshrl.u32 s1, $0x2  }
0x31: {  	s3 =	sand.u32 $0x4000, s31;
	s1 =	sadd.s32 s1, s30  }
0x32: {  	s0 =	sor.u32 s3, s0;
	s1 =	sshll.u32 s1, $0x11  }
0x33: {  	s0 =	sor.u32 s1, s0  }
0x34: {  	s0 =	sadd.s32 $0x8F2B, s0  }
0x35: {  	[sflag:s0] =	ssyncadd.remote.s32 $0x1  }
0x36: {  	_ =	sfence.sel $0xFFFF  }
0x37: {  	[dreg:$0x0] =	wrdreg $0xFFFFFFFF;
	(pc) =	sbr.abs _section_cstart, $3  }
0x38: {  	[dreg:$0x1] =	wrdreg $0xFFFFFFFF  }
0x39: {  	_ =	task.clear_ibuf [dreg:s7], $0x2FFFF;
	_ =	strace $0x9FFFFFFF  }
0x3a: {  	(tm) =	ssettm $0x7FFFFFFF  }
0x3b: {  	_ =	shalt  }
tec
execute0_lowered:
.L_overlay_start_1:
0x0: {  	(tag) =	ssettag $0x1  }
0x1: {  	s0 =	srdreg.scid  }
0x2: {  	s1 =	sshll.u32 s0, $0x4  }
0x3: {  	s0 =	stileid.u32;
	s1 =	sand.u32 $0x10, s1  }
0x4: {  	s1 =	sor.u32 s0, s1  }
0x5: {  	s6 =	rddreg [dreg:$0x0];
	s4 =	simm.s32 $0x1;
	s2 =	sshll.u32 s1, $0x7  }
0x6: {  	s7 =	simm.s32 $0x2;
	s12 =	simm.s32 $0x0;
	s1 =	ssub.s32 $0x1000, s2  }
0x7: {  	s8 =	simm.s32 $0x8000;
	s13 =	simm.s32 $0x0;
	s3 =	sand.u32 $0xF80, s1  }
0x8: {  	s9 =	simm.s32 $0x0;
	s5 =	sshrl.u32 s1, $0xC;
	p0 =	sne.s32 s3, $0x0  }
.Ltmp0:
0x9: {  	s1 =	rddreg [dreg:$0x2];
	s4 =	simm.s32 @!p0 $0x0;
	(pc) =	sbr.rel .LBB1_1-.Ltmp0, $4  }
0xa: {  	s11 =	simm.s32 $0x0;
	s3 =	rddreg [dreg:$0x1];
	s5 =	sadd.s32 s4, s5  }
0xb: {  	_ =	strace $0x8000004A;
	s4 =	simm.s32 $0x1;
	s5 =	smul.u32 $0xC8, s5  }
0xc: {  	s6 =	sadd.s32 $0xC00, s6;
	s10 =	smov.u32 s2;
	[sflag:s4] =	ssyncpa.u1 $0x0  }
0xd: {  	p0 =	por $0x0, $0x0;
	[sflag:s7] =	ssyncpa.u1 $0x0;
	s7 =	sor.u32 $0x1, s5  }
.LBB1_4:
0xe: {  	s16 =	sshll.u32 s13, $0x3;
	s17 =	sand.u32 $0x78, s13  }
0xf: {  	s30 =	sand.u32 $0x3E00, s13;
	s12 =	sshll.u32 s12, $0xE;
	s16 =	sand.u32 $0xC00, s16  }
0x10: {  	s31 =	sand.u32 $0x7, s13;
	s16 =	sor.u32 s17, s16;
	s17 =	sadd.s32 s3, s30  }
0x11: {  	s13 =	sshll.u32 s31, $0x12;
	s16 =	sshrl.u32 s16, $0x3;
	s12 =	sadd.s32 s12, s17  }
0x12: {  	[tilespmem:s15+$0x0 ss:$0x81] =	vst.msk $0xffff, v0;
	s13 =	sor.u32 $0x400, s13;
	s12 =	sadd.s32 s16, s12  }
0x13: {  	[hbm4b:s12+s13] =	stream.strided.scatter [tilespmem:s14], [sflag:$0x2], $0x1000, s8, s13, $0x20;
	[tilespmem:$0x4040] =	vst v63  }
.LBB1_5:
0x14: {  	s14 =	sadd.s32 $0x1, s9  }
0x15: {  	s12 =	sadd.s32 $0x1000, s10;
	s16 =	smov.u32 s10;
	p2 =	sgt.s32 s14, $0xC7  }
0x16: {  	s16 =	smov.u32 @p2 s12  }
0x17: {  	s14 =	simm.s32 @p2 $0x0;
	p2 =	sgt.s32 s16, $0xFFF  }
0x18: {  	s16 =	smov.u32 @p2 s2;
	p2 =	sne.s32 s11, s7  }
.Ltmp1:
0x19: {  	p1 =	slt.u32 s11, $0x2;
	(pc) =	sbr.rel @!p2 .LBB1_6-.Ltmp1, $4  }
0x1a: {  	s15 =	simm.s32 @!p1 $0x2  }
0x1b: {  	s13 =	smov.u32 s10;
	p0 =	por !p0, !p0;
	_ =	swait.ge @!p1 [sflag:s15], $0x1000  }
0x1c: {  	s12 =	smov.u32 s9;
	[sflag:s15] =	ssyncset.done @!p1 $0x0;
	s9 =	smov.u32 s14  }
0x1d: {  	s11 =	sadd.s32 $0x1, s11;
	[sflag:s15] =	ssyncadd.s32 @!p1 $0xFFFFF000;
	s10 =	smov.u32 s16  }
.LBB1_1:
0x1e: {  	p1 =	sge.u32 s11, s5  }
0x1f: {  	s14 =	sand.u32 @!p1 $0x1FFFFFF, s9  }
0x20: {  	s15 =	smulhi.u32 @!p1 $0x147AE15, s14;
	_ =	sdelay $0x1  }
0x21: {  	s15 =	smul.u32 @!p1 $0xC8, s15  }
0x22: {  	s16 =	sxor.u32 @!p1 $0xFFFFFFFF, s11;
	s17 =	smul.u32 @!p1 $0xC80, s10  }
0x23: {  	s31 =	sadd.s32 $0xFFFFFFFF, s11;
	s16 =	sshll.u32 @!p1 s16, $0xC;
	s14 =	ssub.s32 @!p1 s14, s15  }
0x24: {  	s15 =	sand.u32 @!p1 $0x1000, s16;
	s16 =	sadd.s32 @!p1 s6, s17;
	s14 =	sshll.u32 @!p1 s14, $0x4  }
0x25: {  	s17 =	simm.s32 @!p1 $0x6400;
	s14 =	sadd.s32 @!p1 s14, s16;
	s16 =	simm.s32 @!p1 $0x20  }
0x26: {  	[tilespmem:s15], [sflag:$0x1] =	stream.strided.gather @!p1 [hbm4b:s14+s16], $0x1000, s17, s16, $0x38;
	[tilespmem:$0x4040] =	vst v63  }
0x27: {  	p1 =	sge.u32 s31, s5  }
.Ltmp2:
0x28: {  	_ = 	snop;
	(pc) =	sbr.rel @p1 .LBB1_5-.Ltmp2, $1  }
0x29: {  	_ =	sdelay $0x3  }
0x2a: {  	s14 =	simm.s32 $0x1  }
0x2b: {  	_ =	swait.ge [sflag:s4], $0x1000;
	s14 =	simm.s32 @!p0 $0x0  }
0x2c: {  	[sflag:s4] =	ssyncset.done $0x0;
	s15 =	sshll.u32 s14, $0xC  }
0x2d: {  	[sflag:s4] =	ssyncadd.s32 $0xFFFFF000;
	s18 =	sor.u32 $0x10, s15  }
0x2e: {  	s14 =	smul.u32 $0x4080, s14;
	v1 =	vld [tilespmem:s18+$0x0]  }
0x2f: {  	s30 =	sand.u32 $0x1, s11;
	v0 =	vld [tilespmem:s18+$0xFFFFFFF0]  }
0x30: {  	s15 =	smul.u32 $0x4080, s30;
	s14 =	sshrl.u32 s14, $0x2  }
0x31: {  	s16 =	sor.u32 $0x2000, s14  }
0x32: {  	s31 =	sshrl.u32 s15, $0x2;
	s15 =	sadd.s32 $0x0, s16  }
0x33: {  	s17 =	simm.s32 $0x4;
	s18 =	sadd.s32 $0x20, s18;
	s14 =	sor.u32 $0x2000, s31;
	[tilespmem:s15+$0x810 ss:$0x81] =	vst.msk $0xffff, v1  }
.LBB1_3:
0x34: {  	v1 =	vld [tilespmem:s18+$0x0];
	p1 =	sne.s32 s17, $0x1FC;
	[tilespmem:s15+$0x0 ss:$0x81] =	vst.msk $0xffff, v0;
	s15 =	smov.u32 s17;
	s17 =	sadd.s32 $0x4, s17  }
.Ltmp3:
0x35: {  	v0 =	vld [tilespmem:s18+$0xFFFFFFF0];
	(pc) =	sbr.rel @p1 .LBB1_3-.Ltmp3, $4  }
0x36: {  	_ = 	snop  }
0x37: {  	s15 =	sshra.s32 s15, $0x2  }
0x38: {  	s15 =	sadd.s32 s15, s16  }
0x39: {  	s18 =	sadd.s32 $0x20, s18;
	[tilespmem:s15+$0x810 ss:$0x81] =	vst.msk $0xffff, v1  }
.Ltmp4:
0x3a: {  	_ = 	snop;
	(pc) =	sbr.rel .LBB1_4-.Ltmp4, $1  }
0x3b: {  	_ =	sdelay $0x3  }
.LBB1_6:
0x3c: {  	_ =	sfence.sel $0x180000  }
0x3d: {  	s2 =	simm.s32 $0x1;
	[bflag:$0x0] =	sbarrier.arrive $0xFFFF  }
0x3e: {  	s31 =	simm.s32 $0x2;
	[sflag:s2] =	ssyncpa.u1 $0x1  }
0x3f: {  	[sflag:s31] =	ssyncpa.u1 $0x1  }
0x40: {  	p0 =	sne.s32 s0, $0x0;
	_ =	strace $0x9000004A  }
0x41: {  	s0 =	sadd.s32 @!p0 $0x100000, s1;
	[bflag:$0x2] =	sbarrier.arrive $0xFFFF  }
0x42: {  	[sflag:s0] =	ssyncadd.tile.s32 @!p0 $0x1;
	_ =	shalt  }
.Lfunc_end1:
_tile_overlayer_lowered:
.L_overlay_start_2:
0x43: {  	(tag) =	ssettag $0x2  }
0x44: {  	s0 =	rddreg [dreg:$0x0];
	s2 =	stileid.u32  }
0x45: {  	s1 =	rddreg [dreg:$0x1];
	p0 =	sne.s32 s2, $0x0  }
0x46: {  	s3 =	rddreg [dreg:$0x2];
	[bflag:$0x3] =	sbarrier.arrive $0xFFFF;
	s2 =	simm.s32 @!p0 $0x1C01  }
0x47: {  	[timem:s3], [sflag:s2] =	dma.local @!p0 [hbm:s0], s1  }
0x48: {  	s0 =	simm.s32 @!p0 $0x1  }
0x49: {  	_ =	swait.ge @!p0 [sflag:s0], s1  }
0x4a: {  	s1 =	ssub.s32 @!p0 $0x0, s1;
	[sflag:s0] =	ssyncset.done @!p0 $0x0  }
0x4b: {  	[sflag:s0] =	ssyncadd.s32 @!p0 s1  }
0x4c: {  	[bflag:$0x3] =	sbarrier.arrive $0xFFFF  }
0x4d: {  	_ =	shalt  }

</sc_bundles>
